<compile_context>
chip_gen: v7x
topology: tpu7x:2x2x1
jax: 0.10.2.dev20260603
libtpu: 0.0.44.dev20260713+nightly
codegen_flags: <defaults>
</compile_context>

<pallas_src>
import functools

import jax
import jax.numpy as jnp
from jax import lax
from jax.experimental import pallas as pl
from jax.experimental.pallas import tpu as pltpu

D = 768
P = 8
E = 4096
T = 256
NT = E // T
W = NT + P - 1


def _grouped_kernel(sched_ref, offs_ref,
                    zsrc_ref, zdst_ref, wp_ref, wb_ref, bp_ref, bbil_ref,
                    out_ref):
    w = pl.program_id(0)
    expert = sched_ref[1, w]
    first = sched_ref[2, w]
    valid = sched_ref[3, w]
    tile = sched_ref[0, w]

    @pl.when(first == 1)
    def _init():
        out_ref[...] = jnp.zeros_like(out_ref)

    @pl.when(valid == 1)
    def _body():
        zsrc = zsrc_ref[...]
        zdst = zdst_ref[...]
        wp = wp_ref[0]
        wb = wb_ref[0]
        bp = bp_ref[0]
        u = lax.dot_general(zdst, wb, (((1,), (1,)), ((), ())),
                            preferred_element_type=jnp.float32)
        proj = lax.dot_general(zsrc, wp, (((1,), (1,)), ((), ())),
                               preferred_element_type=jnp.float32) + bp
        s = jnp.sum(proj * u, axis=1, keepdims=True) + bbil_ref[0, 0]
        rows = tile * T + lax.broadcasted_iota(jnp.int32, (T, 1), 0)
        lo = offs_ref[expert]
        hi = offs_ref[expert + 1]
        mask = (rows >= lo) & (rows < hi)
        out_ref[...] += jnp.where(mask, s, 0.0)


def _grouped_scores(sched, offs, z_src_perm, z_dst_perm, W_proj, b_proj,
                    W_bil, b_bil):
    bp3 = b_proj.reshape(P, 1, D)
    bb2 = b_bil.reshape(1, 1)
    grid_spec = pltpu.PrefetchScalarGridSpec(
        num_scalar_prefetch=2,
        grid=(W,),
        in_specs=[
            pl.BlockSpec((T, D), lambda w, s, o: (s[0, w], 0)),
            pl.BlockSpec((T, D), lambda w, s, o: (s[0, w], 0)),
            pl.BlockSpec((1, D, D), lambda w, s, o: (s[1, w], 0, 0)),
            pl.BlockSpec((1, D, D), lambda w, s, o: (0, 0, 0)),
            pl.BlockSpec((1, 1, D), lambda w, s, o: (s[1, w], 0, 0)),
            pl.BlockSpec((1, 1), lambda w, s, o: (0, 0)),
        ],
        out_specs=pl.BlockSpec((T, 1), lambda w, s, o: (s[0, w], 0)),
    )
    return pl.pallas_call(
        _grouped_kernel,
        grid_spec=grid_spec,
        out_shape=jax.ShapeDtypeStruct((E, 1), jnp.float32),
    )(sched, offs, z_src_perm, z_dst_perm, W_proj, W_bil, bp3, bb2)


def _build_schedule(offs):
    tt = jnp.arange(NT, dtype=jnp.int32)[:, None]
    ee = jnp.arange(P, dtype=jnp.int32)[None, :]
    lo = jnp.maximum(offs[:-1][None, :], tt * T)
    hi = jnp.minimum(offs[1:][None, :], (tt + 1) * T)
    valid = (hi > lo).reshape(-1)
    order = jnp.argsort(~valid, stable=True)
    sel = order[:W]
    vsel = valid[sel].astype(jnp.int32)
    tile = jnp.where(vsel == 1, (sel // P).astype(jnp.int32), NT - 1)
    expert = jnp.where(vsel == 1, (sel % P).astype(jnp.int32), P - 1)
    prev_tile = jnp.concatenate([jnp.array([-1], jnp.int32), tile[:-1]])
    first = ((tile != prev_tile) & (vsel == 1)).astype(jnp.int32)
    return jnp.stack([tile, expert, first, vsel])


def kernel(z_src, z_dst, lr_pair_idx, W_proj, b_proj, W_bil, b_bil):
    idx = lr_pair_idx.astype(jnp.int32)
    perm = jnp.argsort(idx, stable=True)
    z_src_perm = jnp.take(z_src, perm, axis=0)
    z_dst_perm = jnp.take(z_dst, perm, axis=0)
    counts = jnp.sum(idx[None, :] == jnp.arange(P, dtype=jnp.int32)[:, None],
                     axis=1, dtype=jnp.int32)
    offs = jnp.concatenate([jnp.zeros((1,), jnp.int32), jnp.cumsum(counts)])
    offs = offs.astype(jnp.int32)
    sched = _build_schedule(offs)
    scores_perm = _grouped_scores(sched, offs, z_src_perm, z_dst_perm,
                                  W_proj, b_proj, W_bil, b_bil)
    scores = jnp.zeros((E, 1), jnp.float32).at[perm].set(scores_perm)
    return scores

# --- scband reference (transcript-rebuilt; emitter-appended) ---
"""Pipeline reference for scband-lrinteraction-predictor-26525718020341 (READ-ONLY COPY).

The authoritative reference and input builder live on the scoring server;
editing this copy changes nothing except your own understanding.
"""

import jax, jax.numpy as jnp
import numpy as np

D = 768
P = 8
E = 4096

def setup_inputs(seed: int = 0) -> dict:
    key = jax.random.key(seed)
    k1, k2, k3, k4, k5, k6, k7 = jax.random.split(key, 7)
    z_src = jax.random.normal(k1, (E, D), dtype=jnp.float32)
    z_dst = jax.random.normal(k2, (E, D), dtype=jnp.float32)
    lr_pair_idx = jax.random.randint(k3, (E,), 0, P)
    s = 1.0 / np.sqrt(D)
    W_proj = jax.random.uniform(k4, (P, D, D), minval=-s, maxval=s, dtype=jnp.float32)
    b_proj = jax.random.uniform(k5, (P, D), minval=-s, maxval=s, dtype=jnp.float32)
    W_bil = jax.random.uniform(k6, (1, D, D), minval=-s, maxval=s, dtype=jnp.float32)
    b_bil = jax.random.uniform(k7, (1,), minval=-s, maxval=s, dtype=jnp.float32)
    return {"z_src": z_src, "z_dst": z_dst, "lr_pair_idx": lr_pair_idx,
            "W_proj": W_proj, "b_proj": b_proj, "W_bil": W_bil, "b_bil": b_bil}

def reference(z_src, z_dst, lr_pair_idx, W_proj, b_proj, W_bil, b_bil):
    # Pair-specific projection of source embeddings (expert routing by lr_pair_idx).
    # Faithful to the torch loop: for each pair i, tokens with lr_pair_idx==i get proj_i(z_src).
    n_pairs = W_proj.shape[0]
    z_src_proj = jnp.zeros_like(z_src)
    for i in range(n_pairs):
        mask = (lr_pair_idx == i)
        out_i = z_src @ W_proj[i].T + b_proj[i]  # nn.Linear: x @ W^T + b
        z_src_proj = jnp.where(mask[:, None], out_i, z_src_proj)
    # nn.Bilinear(D, D, 1): scores[e] = z_src_proj[e] @ W_bil[0] @ z_dst[e] + b_bil
    tmp = z_src_proj @ W_bil[0]
    scores = jnp.sum(tmp * z_dst, axis=-1, keepdims=True) + b_bil
    return scores

if __name__ == "__main__":
    import jax
    _d = setup_inputs()
    print(jax.jit(kernel)(*tuple(_d.values())))

</pallas_src>

<mosaic_0001>
module attributes {stable_mosaic.version = 14 : i64} {
  func.func @_grouped_kernel(%arg0: i32, %arg1: memref<4x23xi32, #tpu.memory_space<smem>>, %arg2: memref<9xi32, #tpu.memory_space<smem>>, %arg3: memref<256x768xf32, #tpu.memory_space<vmem>>, %arg4: memref<256x768xf32, #tpu.memory_space<vmem>>, %arg5: memref<1x768x768xf32, #tpu.memory_space<vmem>>, %arg6: memref<1x768x768xf32, #tpu.memory_space<vmem>>, %arg7: memref<1x1x768xf32, #tpu.memory_space<vmem>>, %arg8: memref<1x1xf32, #tpu.memory_space<vmem>>, %arg9: memref<256x1xf32, #tpu.memory_space<vmem>>) attributes {dimension_semantics = [#tpu.dimension_semantics<arbitrary>], iteration_bounds = array<i64: 23>, scalar_prefetch = 2 : i64, scratch_operands = 0 : i64, tpu.core_type = #tpu.core_type<tc>, window_params = [{transform_indices = @transform_0, window_bounds = array<i64: 256, 768>}, {transform_indices = @transform_1, window_bounds = array<i64: 256, 768>}, {transform_indices = @transform_2, window_bounds = array<i64: 1, 768, 768>}, {pipeline_mode = #tpu.pipeline_mode<synchronous>, transform_indices = @transform_3, window_bounds = array<i64: 1, 768, 768>}, {transform_indices = @transform_4, window_bounds = array<i64: 1, 1, 768>}, {pipeline_mode = #tpu.pipeline_mode<synchronous>, transform_indices = @transform_5, window_bounds = array<i64: 1, 1>}, {transform_indices = @transform_6, window_bounds = array<i64: 256, 1>}]} {
    %get3A = arith.constant 1 : index
    %get3A_0 = arith.index_cast %arg0 : i32 to index
    %get3A_1 = memref.load %arg1[%get3A, %get3A_0] : memref<4x23xi32, #tpu.memory_space<smem>>
    %get3A_2 = arith.constant 2 : index
    %get3A_3 = arith.index_cast %arg0 : i32 to index
    %get3A_4 = memref.load %arg1[%get3A_2, %get3A_3] : memref<4x23xi32, #tpu.memory_space<smem>>
    %get3A_5 = arith.constant 3 : index
    %get3A_6 = arith.index_cast %arg0 : i32 to index
    %get3A_7 = memref.load %arg1[%get3A_5, %get3A_6] : memref<4x23xi32, #tpu.memory_space<smem>>
    %get3A_8 = arith.constant 0 : index
    %get3A_9 = arith.index_cast %arg0 : i32 to index
    %get3A_10 = memref.load %arg1[%get3A_8, %get3A_9] : memref<4x23xi32, #tpu.memory_space<smem>>
    %eq3A = arith.constant 1 : i32
    %eq3A_11 = arith.cmpi eq, %get3A_4, %eq3A : i32
    %convert_element_type3A = arith.extui %eq3A_11 : i1 to i32
    %cond3A = arith.constant 0 : i32
    %cond3A_12 = arith.cmpi ne, %convert_element_type3A, %cond3A : i32
    scf.if %cond3A_12 {
      %broadcast_in_dim3A = arith.constant 0.000000e+00 : f32
      %broadcast_in_dim3A_18 = vector.broadcast %broadcast_in_dim3A : f32 to vector<256x1xf32>
      %swap3A = arith.constant 0 : index
      %swap3A_19 = arith.constant 0 : index
      %swap3A_20 = vector.load %arg9[%swap3A, %swap3A_19] : memref<256x1xf32, #tpu.memory_space<vmem>>, vector<256x1xf32>
      tpu.vector_store %arg9[%swap3A, %swap3A_19], %broadcast_in_dim3A_18 {strides = array<i32>} : memref<256x1xf32, #tpu.memory_space<vmem>>, vector<256x1xf32>,
    } else {
    }
    %eq3A_13 = arith.constant 1 : i32
    %eq3A_14 = arith.cmpi eq, %get3A_7, %eq3A_13 : i32
    %convert_element_type3A_15 = arith.extui %eq3A_14 : i1 to i32
    %cond3A_16 = arith.constant 0 : i32
    %cond3A_17 = arith.cmpi ne, %convert_element_type3A_15, %cond3A_16 : i32
    scf.if %cond3A_17 {
      %get3A_18 = arith.constant 0 : index
      %get3A_19 = arith.constant 0 : index
      %get3A_20 = vector.load %arg3[%get3A_18, %get3A_19] : memref<256x768xf32, #tpu.memory_space<vmem>>, vector<256x768xf32>
      %get3A_21 = arith.constant 0 : index
      %get3A_22 = arith.constant 0 : index
      %get3A_23 = vector.load %arg4[%get3A_21, %get3A_22] : memref<256x768xf32, #tpu.memory_space<vmem>>, vector<256x768xf32>
      %get3A_24 = arith.constant 0 : index
      %get3A_25 = arith.constant 0 : index
      %get3A_26 = arith.constant 0 : index
      %get3A_27 = vector.load %arg5[%get3A_24, %get3A_25, %get3A_26] : memref<1x768x768xf32, #tpu.memory_space<vmem>>, vector<1x768x768xf32>
      %get3A_28 = vector.shape_cast %get3A_27 : vector<1x768x768xf32> to vector<768x768xf32>
      %get3A_29 = arith.constant 0 : index
      %get3A_30 = arith.constant 0 : index
      %get3A_31 = arith.constant 0 : index
      %get3A_32 = vector.load %arg6[%get3A_29, %get3A_30, %get3A_31] : memref<1x768x768xf32, #tpu.memory_space<vmem>>, vector<1x768x768xf32>
      %get3A_33 = vector.shape_cast %get3A_32 : vector<1x768x768xf32> to vector<768x768xf32>
      %get3A_34 = arith.constant 0 : index
      %get3A_35 = arith.constant 0 : index
      %get3A_36 = arith.constant 0 : index
      %get3A_37 = vector.load %arg7[%get3A_34, %get3A_35, %get3A_36] : memref<1x1x768xf32, #tpu.memory_space<vmem>>, vector<1x1x768xf32>
      %get3A_38 = vector.shape_cast %get3A_37 : vector<1x1x768xf32> to vector<1x768xf32>
      %dot_general3A = arith.constant dense<0.000000e+00> : vector<256x768xf32>
      %dot_general3A_39 = tpu.matmul %get3A_23, %get3A_33, %dot_general3A {dimension_numbers = #tpu.dot_dimension_numbers<[1], [1], [0], [0], [0, 0, 1, 0], [], []>, transpose_lhs_hint = false} : vector<256x768xf32>, vector<768x768xf32>, vector<256x768xf32> -> vector<256x768xf32>
      %dot_general3A_40 = arith.constant dense<0.000000e+00> : vector<256x768xf32>
      %dot_general3A_41 = tpu.matmul %get3A_20, %get3A_28, %dot_general3A_40 {dimension_numbers = #tpu.dot_dimension_numbers<[1], [1], [0], [0], [0, 0, 1, 0], [], []>, transpose_lhs_hint = false} : vector<256x768xf32>, vector<768x768xf32>, vector<256x768xf32> -> vector<256x768xf32>
      %add3A = vector.broadcast %get3A_38 : vector<1x768xf32> to vector<256x768xf32>
      %add3A_42 = arith.addf %dot_general3A_41, %add3A : vector<256x768xf32>
      %mul3A = arith.mulf %add3A_42, %dot_general3A_39 : vector<256x768xf32>
      %reduce_sum3A = arith.constant dense<0.000000e+00> : vector<256xf32>
      %reduce_sum3A_43 = vector.multi_reduction <add>, %mul3A, %reduce_sum3A [1] : vector<256x768xf32> to vector<256xf32>
      %broadcast_in_dim3A = vector.shape_cast %reduce_sum3A_43 : vector<256xf32> to vector<256x1xf32>
      %get3A_44 = arith.constant 0 : index
      %get3A_45 = arith.constant 0 : index
      %get3A_46 = vector.load %arg8[%get3A_44, %get3A_45] : memref<1x1xf32, #tpu.memory_space<vmem>>, vector<1x1xf32>
      %get3A_47 = vector.extract %get3A_46[0, 0] : f32 from vector<1x1xf32>
      %add3A_48 = vector.broadcast %get3A_47 : f32 to vector<256x1xf32>
      %add3A_49 = arith.addf %broadcast_in_dim3A, %add3A_48 : vector<256x1xf32>
      %mul3A_50 = arith.constant 256 : i32
      %mul3A_51 = arith.muli %get3A_10, %mul3A_50 : i32
      %iota3A = tpu.iota {dimensions = array<i32: 0>} : vector<256x1xi32>
      %add3A_52 = vector.broadcast %mul3A_51 : i32 to vector<256x1xi32>
      %add3A_53 = arith.addi %add3A_52, %iota3A : vector<256x1xi32>
      %get3A_54 = arith.index_cast %get3A_1 : i32 to index
      %get3A_55 = memref.load %arg2[%get3A_54] : memref<9xi32, #tpu.memory_space<smem>>
      %add3A_56 = arith.constant 1 : i32
      %add3A_57 = arith.addi %get3A_1, %add3A_56 : i32
      %get3A_58 = arith.index_cast %add3A_57 : i32 to index
      %get3A_59 = memref.load %arg2[%get3A_58] : memref<9xi32, #tpu.memory_space<smem>>
      %ge3A = vector.broadcast %get3A_55 : i32 to vector<256x1xi32>
      %ge3A_60 = arith.cmpi sge, %add3A_53, %ge3A : vector<256x1xi32>
      %lt3A = vector.broadcast %get3A_59 : i32 to vector<256x1xi32>
      %lt3A_61 = arith.cmpi slt, %add3A_53, %lt3A : vector<256x1xi32>
      %and3A = arith.andi %ge3A_60, %lt3A_61 : vector<256x1xi1>
      %get3A_62 = arith.constant 0 : index
      %get3A_63 = arith.constant 0 : index
      %get3A_64 = vector.load %arg9[%get3A_62, %get3A_63] : memref<256x1xf32, #tpu.memory_space<vmem>>, vector<256x1xf32>
      %jit3A = arith.constant 0.000000e+00 : f32
      %broadcast_in_dim3A_65 = vector.broadcast %jit3A : f32 to vector<256x1xf32>
      %select_n3A = arith.select %and3A, %add3A_49, %broadcast_in_dim3A_65 : vector<256x1xi1>, vector<256x1xf32>
      %add3A_66 = arith.addf %get3A_64, %select_n3A : vector<256x1xf32>
      %swap3A = arith.constant 0 : index
      %swap3A_67 = arith.constant 0 : index
      %swap3A_68 = vector.load %arg9[%swap3A, %swap3A_67] : memref<256x1xf32, #tpu.memory_space<vmem>>, vector<256x1xf32>
      tpu.vector_store %arg9[%swap3A, %swap3A_67], %add3A_66 {strides = array<i32>} : memref<256x1xf32, #tpu.memory_space<vmem>>, vector<256x1xf32>,
    } else {
    }
    return
  }
  func.func @transform_0(%arg0: i32, %arg1: memref<4x23xi32, #tpu.memory_space<smem>>, %arg2: memref<9xi32, #tpu.memory_space<smem>>) -> (i32, i32) {
    %get3A = arith.constant 0 : index
    %get3A_0 = arith.index_cast %arg0 : i32 to index
    %get3A_1 = memref.load %arg1[%get3A, %get3A_0] : memref<4x23xi32, #tpu.memory_space<smem>>
    %c0_i32 = arith.constant 0 : i32
    %c0_i32_2 = arith.constant 0 : i32
    return %get3A_1, %c0_i32 : i32, i32
  }
  func.func @transform_1(%arg0: i32, %arg1: memref<4x23xi32, #tpu.memory_space<smem>>, %arg2: memref<9xi32, #tpu.memory_space<smem>>) -> (i32, i32) {
    %get3A = arith.constant 0 : index
    %get3A_0 = arith.index_cast %arg0 : i32 to index
    %get3A_1 = memref.load %arg1[%get3A, %get3A_0] : memref<4x23xi32, #tpu.memory_space<smem>>
    %c0_i32 = arith.constant 0 : i32
    %c0_i32_2 = arith.constant 0 : i32
    return %get3A_1, %c0_i32 : i32, i32
  }
  func.func @transform_2(%arg0: i32, %arg1: memref<4x23xi32, #tpu.memory_space<smem>>, %arg2: memref<9xi32, #tpu.memory_space<smem>>) -> (i32, i32, i32) {
    %get3A = arith.constant 1 : index
    %get3A_0 = arith.index_cast %arg0 : i32 to index
    %get3A_1 = memref.load %arg1[%get3A, %get3A_0] : memref<4x23xi32, #tpu.memory_space<smem>>
    %c0_i32 = arith.constant 0 : i32
    %c0_i32_2 = arith.constant 0 : i32
    %c0_i32_3 = arith.constant 0 : i32
    return %get3A_1, %c0_i32, %c0_i32_2 : i32, i32, i32
  }
  func.func @transform_3(%arg0: i32, %arg1: memref<4x23xi32, #tpu.memory_space<smem>>, %arg2: memref<9xi32, #tpu.memory_space<smem>>) -> (i32, i32, i32) {
    %c0_i32 = arith.constant 0 : i32
    %c0_i32_0 = arith.constant 0 : i32
    %c0_i32_1 = arith.constant 0 : i32
    %c0_i32_2 = arith.constant 0 : i32
    return %c0_i32, %c0_i32_0, %c0_i32_1 : i32, i32, i32
  }
  func.func @transform_4(%arg0: i32, %arg1: memref<4x23xi32, #tpu.memory_space<smem>>, %arg2: memref<9xi32, #tpu.memory_space<smem>>) -> (i32, i32, i32) {
    %get3A = arith.constant 1 : index
    %get3A_0 = arith.index_cast %arg0 : i32 to index
    %get3A_1 = memref.load %arg1[%get3A, %get3A_0] : memref<4x23xi32, #tpu.memory_space<smem>>
    %c0_i32 = arith.constant 0 : i32
    %c0_i32_2 = arith.constant 0 : i32
    %c0_i32_3 = arith.constant 0 : i32
    return %get3A_1, %c0_i32, %c0_i32_2 : i32, i32, i32
  }
  func.func @transform_5(%arg0: i32, %arg1: memref<4x23xi32, #tpu.memory_space<smem>>, %arg2: memref<9xi32, #tpu.memory_space<smem>>) -> (i32, i32) {
    %c0_i32 = arith.constant 0 : i32
    %c0_i32_0 = arith.constant 0 : i32
    %c0_i32_1 = arith.constant 0 : i32
    return %c0_i32, %c0_i32_0 : i32, i32
  }
  func.func @transform_6(%arg0: i32, %arg1: memref<4x23xi32, #tpu.memory_space<smem>>, %arg2: memref<9xi32, #tpu.memory_space<smem>>) -> (i32, i32) {
    %get3A = arith.constant 0 : index
    %get3A_0 = arith.index_cast %arg0 : i32 to index
    %get3A_1 = memref.load %arg1[%get3A, %get3A_0] : memref<4x23xi32, #tpu.memory_space<smem>>
    %c0_i32 = arith.constant 0 : i32
    %c0_i32_2 = arith.constant 0 : i32
    return %get3A_1, %c0_i32 : i32, i32
  }
}

</mosaic_0001>

<sc_bundles>
// kernel: gather_offload_async_start.1
scs
__scs_entry_jumppad:
0x0: {  	(pc) =	sbr.rel $0x88, $3  }
0x1: {  	(tag) =	ssettag $0x0;
	lr =	simm.s32 $0x1  }
0x2: {  	[smem:$0x3F9A] =	sst lr;
	_ =	strace $0xD0000000  }
0x3: {  	_ = 	snop  }
0x4: {  	_ = 	snop  }
0x5: {  	_ = 	snop  }
0x6: {  	_ = 	snop  }
0x7: {  	_ = 	snop  }
__scs_overlays_trampoline_lowered:
0x8: {  	[smem:$0x3FA9] =	sst s0  }
0x9: {  	[smem:$0x3FAA] =	sst s1  }
0xa: {  	[smem:$0x3FAB] =	sst s2  }
0xb: {  	[smem:$0x3FAC] =	sst s3  }
0xc: {  	[smem:$0x3FAD] =	sst s4  }
0xd: {  	[smem:$0x3FAE] =	sst s5  }
0xe: {  	[smem:$0x3FAF] =	sst s6  }
0xf: {  	[smem:$0x3FB0] =	sst s7  }
0x10: {  	[smem:$0x3FB1] =	sst s8  }
0x11: {  	[smem:$0x3FB2] =	sst s9;
	s0 =	simm.s32 @!p0 $0x0  }
0x12: {  	s1 =	sld [smem:$0x3F98];
	s0 =	simm.s32 @p0 $0x1  }
0x13: {  	[smem:$0x3FB3] =	sst s0;
	s0 =	simm.s32 @!p1 $0x0  }
0x14: {  	s2 =	sld [smem:$0x3F97];
	s0 =	simm.s32 @p1 $0x1  }
0x15: {  	[smem:$0x3FB4] =	sst s0;
	s0 =	simm.s32 @!p2 $0x0  }
0x16: {  	s3 =	sld [smem:$0x3FDB];
	s0 =	simm.s32 @p2 $0x1  }
0x17: {  	s4 =	simm.s32 $0x1BF5;
	[smem:$0x3FB6] =	sst s0  }
0x18: {  	s0 =	sld [smem:$0x3F99];
	_ =	swait.ge [sflag:s4], $0x0  }
0x19: {  	s7 =	sld [smem:$0x3F9A]  }
0x1a: {  	s8 =	sadd.s32 $0xFFFFE003, lr  }
0x1b: {  	s9 =	sadd.s32 $0xFFFFFEF7, lr;
	s5 =	simm.s32 $0xFFFFFFFF;
	p2 =	slt.u32 s8, $0xFFFFF086  }
0x1c: {  	p1 =	slt.u32 s9, $0xF7A;
	s5 =	simm.s32 @!p2 $0x0  }
0x1d: {  	s5 =	simm.s32 @p1 $0x1;
	p0 =	seq.s32 s7, s2  }
0x1e: {  	s7 =	smul.u32 @!p0 $0xF7A, s2;
	p2 =	seq.s32 @!p0 s5, $0x0  }
0x1f: {  	s9 =	smul.u32 $0xF7A, s1;
	s8 =	simm.s32 @!p0 $0x1BF5;
	p2 =	por !p2, p0  }
0x20: {  	[sflag:s8] =	ssyncset.s32 @!p0 $0xFFFFF086;
	s6 =	sadd.s32 @!p0 s3, s7;
	s7 =	simm.s32 @!p0 $0x108  }
0x21: {  	s3 =	sadd.s32 s3, s9;
	s6 =	sadd.s32 @!p0 $0x88, s6;
	s7 =	simm.s32 @p2 $0x1082  }
0x22: {  	[simem:s7], [sflag:s8] =	dma.local @!p0 [hbm:s6], $0xF7A  }
0x23: {  	s9 =	sor.u32 $0xD0000000, s2;
	s6 =	simm.s32 $0x108;
	_ =	swait.ge @!p0 [sflag:s8], $0x0  }
0x24: {  	s3 =	sadd.s32 $0x88, s3;
	s6 =	simm.s32 @!p1 $0x1082;
	[sflag:s4] =	ssyncset.s32 $0xFFFFF086  }
0x25: {  	[simem:s6], [sflag:s4] =	dma.local [hbm:s3], $0xF7A  }
0x26: {  	[smem:$0x3F9A] =	sst s1;
	(tag) =	ssettag s2;
	_ =	strace s9  }
0x27: {  	s1 =	sld [smem:$0x3FAA]  }
0x28: {  	s2 =	sld [smem:$0x3FAB]  }
0x29: {  	s4 =	sld [smem:$0x3FAD]  }
0x2a: {  	p0 =	seq.s32 s5, $0x0;
	s5 =	sld [smem:$0x3FAE]  }
0x2b: {  	s6 =	sld [smem:$0x3FAF]  }
0x2c: {  	s7 =	sld [smem:$0x3FB0]  }
0x2d: {  	s3 =	simm.s32 $0x108;
	s8 =	sld [smem:$0x3FB1]  }
0x2e: {  	s3 =	simm.s32 @!p0 $0x1082;
	s9 =	sld [smem:$0x3FB2]  }
0x2f: {  	lr =	sadd.s32 s0, s3;
	s0 =	sld [smem:$0x3FA9]  }
0x30: {  	s3 =	sld [smem:$0x3FAC]  }
0x31: {  	[smem:$0x3FB5] =	sst s10  }
0x32: {  	s10 =	sld [smem:$0x3FB3];
	_ =	sdelay $0x3  }
0x33: {  	p0 =	seq.s32 s10, $0x1;
	s10 =	sld [smem:$0x3FB5];
	_ =	sdelay $0x3  }
0x34: {  	[smem:$0x3FB5] =	sst s10  }
0x35: {  	s10 =	sld [smem:$0x3FB4];
	_ =	sdelay $0x3  }
0x36: {  	p1 =	seq.s32 s10, $0x1;
	s10 =	sld [smem:$0x3FB5];
	_ =	sdelay $0x3  }
0x37: {  	[smem:$0x3FB5] =	sst s10  }
0x38: {  	s10 =	sld [smem:$0x3FB6]  }
0x39: {  	_ = 	snop;
	(pc) =	sbr.ind lr, $3  }
0x3a: {  	_ = 	snop  }
0x3b: {  	_ = 	snop  }
0x3c: {  	p2 =	seq.s32 s10, $0x1;
	s10 =	sld [smem:$0x3FB5]  }
0x3d: {  	_ =	shalt  }
0x3e: {  	_ =	shalt  }
0x3f: {  	_ =	shalt  }
0x40: {  	_ =	shalt  }
0x41: {  	_ =	shalt  }
0x42: {  	_ =	shalt  }
0x43: {  	_ =	shalt  }
0x44: {  	_ =	shalt  }
0x45: {  	_ =	shalt  }
0x46: {  	_ =	shalt  }
0x47: {  	_ =	shalt  }
0x48: {  	_ =	shalt  }
0x49: {  	_ =	shalt  }
0x4a: {  	_ =	shalt  }
0x4b: {  	_ =	shalt  }
0x4c: {  	_ =	shalt  }
0x4d: {  	_ =	shalt  }
0x4e: {  	_ =	shalt  }
0x4f: {  	_ =	shalt  }
0x50: {  	_ =	shalt  }
0x51: {  	_ =	shalt  }
0x52: {  	_ =	shalt  }
0x53: {  	_ =	shalt  }
0x54: {  	_ =	shalt  }
0x55: {  	_ =	shalt  }
0x56: {  	_ =	shalt  }
0x57: {  	_ =	shalt  }
0x58: {  	_ =	shalt  }
0x59: {  	_ =	shalt  }
0x5a: {  	_ =	shalt  }
0x5b: {  	_ =	shalt  }
0x5c: {  	_ =	shalt  }
0x5d: {  	_ =	shalt  }
0x5e: {  	_ =	shalt  }
0x5f: {  	_ =	shalt  }
0x60: {  	_ =	shalt  }
0x61: {  	_ =	shalt  }
0x62: {  	_ =	shalt  }
0x63: {  	_ =	shalt  }
0x64: {  	_ =	shalt  }
0x65: {  	_ =	shalt  }
0x66: {  	_ =	shalt  }
0x67: {  	_ =	shalt  }
0x68: {  	_ =	shalt  }
0x69: {  	_ =	shalt  }
0x6a: {  	_ =	shalt  }
0x6b: {  	_ =	shalt  }
0x6c: {  	_ =	shalt  }
0x6d: {  	_ =	shalt  }
0x6e: {  	_ =	shalt  }
0x6f: {  	_ =	shalt  }
0x70: {  	_ =	shalt  }
0x71: {  	_ =	shalt  }
0x72: {  	_ =	shalt  }
0x73: {  	_ =	shalt  }
0x74: {  	_ =	shalt  }
0x75: {  	_ =	shalt  }
0x76: {  	_ =	shalt  }
0x77: {  	_ =	shalt  }
0x78: {  	_ =	shalt  }
0x79: {  	_ =	shalt  }
0x7a: {  	_ =	shalt  }
0x7b: {  	_ =	shalt  }
0x7c: {  	_ =	shalt  }
0x7d: {  	_ =	shalt  }
0x7e: {  	_ =	shalt  }
0x7f: {  	_ =	shalt  }
0x80: {  	_ =	shalt  }
0x81: {  	_ =	shalt  }
0x82: {  	_ =	shalt  }
0x83: {  	_ =	shalt  }
0x84: {  	_ =	shalt  }
0x85: {  	_ =	shalt  }
0x86: {  	_ =	shalt  }
0x87: {  	_ =	shalt  }
.Lfunc_end0:
.L_simem_size_0:
called_computation.1_lowered:
.L_overlay_start_0:
0x88: {  	s2 =	sld [smem:$0x3FD9]  }
0x89: {  	s3 =	sld [smem:$0x3FFE];
	_ =	sdelay $0x1  }
0x8a: {  	s1 =	srdreg.scid  }
0x8b: {  	s0 =	sand.u32 $0x1, s1  }
0x8c: {  	s17 =	sshll.u32 s0, $0xA;
	s2 =	sadd.s32 s3, s2  }
0x8d: {  	s2 =	sadd.s32 s2, s17  }
0x8e: {  	[smem:$0x3FC1] =	sst s2  }
0x8f: {  	_ = 	snop  }
0x90: {  	s2 =	sld [smem:$0x3FC8]  }
0x91: {  	s18 =	sld [smem:$0x3FD0];
	(tm) =	ssettm $0x1  }
0x92: {  	s4 =	sld [smem:$0x3FFB];
	_ =	sdelay $0x3  }
0x93: {  	_ =	strace s4  }
0x94: {  	s4 =	sld [smem:$0x3FFC];
	_ =	sdelay $0x3  }
0x95: {  	_ =	strace s4  }
0x96: {  	s4 =	sld [smem:$0x3FFD];
	_ =	sdelay $0x3  }
0x97: {  	_ =	strace s4  }
0x98: {  	_ =	strace $0x8FFFFFFF  }
0x99: {  	s19 =	sld [smem:$0x3FDB];
	_ =	sdelay $0x1  }
0x9a: {  	s5 =	simm.s32 $_scs_section_size  }
0x9b: {  	s6 =	simm.s32 $_size__tile_overlayer_lowered;
	s7 =	simm.s32 $_tile_overlayer_lowered  }
0x9c: {  	s22 =	simm.s32 $0x1BFF;
	s21 =	sshll.u32 s7, $0x1;
	s4 =	sadd.s32 s5, s19  }
0x9d: {  	s8 =	simm.s32 $0x0;
	s20 =	sshll.u32 s6, $0x1;
	s6 =	sadd.s32 s21, s4  }
0x9e: {  	[timem:s8], [sflag:s22] =	dma.local [hbm:s6], s20  }
0x9f: {  	_ =	swait.ge [sflag:s22], s20  }
0xa0: {  	s5 =	ssub.s32 $0x0, s20;
	[sflag:s22] =	ssyncset.done $0x0  }
0xa1: {  	[sflag:s22] =	ssyncadd.s32 s5;
	_ =	sdelay $0x1  }
0xa2: {  	s23 =	simm.s32 $0x1B8B  }
0xa3: {  	_ =	swait.ge [sflag:s23], $0x1  }
0xa4: {  	[sflag:s23] =	ssyncset.done $0x0  }
0xa5: {  	s25 =	simm.s32 $0x1B8E;
	s24 =	sld [smem:$0x3FFE];
	[sflag:s23] =	ssyncadd.s32 $0xFFFFFFFF  }
0xa6: {  	s26 =	simm.s32 $execute0_lowered;
	[smem:$0x3FD2] =	sst s25  }
0xa7: {  	s6 =	sshll.u32 s26, $0x1;
	_ =	strace $0x80000046;
	[dreg:$0x1] =	wrdreg $0xFFFFFFFF  }
0xa8: {  	s28 =	simm.s32 $_size_execute0_lowered;
	s4 =	sadd.s32 s4, s6;
	[dreg:$0x0] =	wrdreg $0x0  }
0xa9: {  	s6 =	sshll.u32 s28, $0x1;
	[dreg:$0x2] =	wrdreg s4  }
0xaa: {  	[dreg:$0x3] =	wrdreg s6  }
0xab: {  	[dreg:$0x4] =	wrdreg $0xC0  }
0xac: {  	_ =	task [dreg:s8], $0x5FFFF  }
0xad: {  	[dreg:$0x1] =	wrdreg $0xFFFFFFFF  }
0xae: {  	[dreg:$0x0] =	wrdreg $0x60  }
0xaf: {  	[dreg:$0x2] =	wrdreg s2  }
0xb0: {  	[dreg:$0x3] =	wrdreg s18  }
0xb1: {  	[dreg:$0x4] =	wrdreg s24  }
0xb2: {  	[dreg:$0x5] =	wrdreg $0xA  }
0xb3: {  	_ =	task.clear_ibuf [dreg:s8], $0x6FFFF;
	_ =	strace $0x90000046  }
0xb4: {  	s29 =	simm.s32 $0xA;
	_ =	strace $0x80000048  }
0xb5: {  	_ =	swait.ge [sflag:s29], $0x1  }
0xb6: {  	[sflag:s29] =	ssyncadd.s32 $0xFFFFFFFF  }
0xb7: {  	_ =	strace $0x90000048  }
0xb8: {  	_ =	sfence  }
0xb9: {  	s30 =	sld [smem:$0x0];
	_ =	sdelay $0x2  }
0xba: {  	s31 =	sshll.u32 s1, $0xD;
	s1 =	sshrl.u32 s1, $0x2  }
0xbb: {  	s3 =	sand.u32 $0x4000, s31;
	s1 =	sadd.s32 s1, s30  }
0xbc: {  	s0 =	sor.u32 s3, s0;
	s1 =	sshll.u32 s1, $0x11  }
0xbd: {  	s0 =	sor.u32 s1, s0  }
0xbe: {  	s0 =	sadd.s32 $0x8F2B, s0  }
0xbf: {  	[sflag:s0] =	ssyncadd.remote.s32 $0x1  }
0xc0: {  	_ =	sfence.sel $0xFFFF  }
0xc1: {  	[dreg:$0x0] =	wrdreg $0xFFFFFFFF;
	(pc) =	sbr.abs _section_cstart, $3  }
0xc2: {  	[dreg:$0x1] =	wrdreg $0xFFFFFFFF  }
0xc3: {  	_ =	task.clear_ibuf [dreg:s8], $0x2FFFF;
	_ =	strace $0x9FFFFFFF  }
0xc4: {  	(tm) =	ssettm $0x7FFFFFFF  }
0xc5: {  	_ =	shalt  }
tec
execute0_lowered:
.L_overlay_start_1:
0x0: {  	(tag) =	ssettag $0x1  }
0x1: {  	s2 =	rddreg [dreg:$0x0]  }
0x2: {  	s3 =	rddreg [dreg:$0x1]  }
0x3: {  	s7 =	rddreg [dreg:$0x2]  }
0x4: {  	s0 =	rddreg [dreg:$0x3];
	s1 =	srdreg.scid;
	_ =	strace $0x80000047  }
0x5: {  	s4 =	simm.s32 $0x1;
	s9 =	simm.s32 $0x3;
	s5 =	sshll.u32 s1, $0x4  }
.Ltmp0:
0x6: {  	s1 =	stileid.u32;
	s5 =	sand.u32 $0x10, s5;
	(pc) =	sbr.rel .LBB2_1-.Ltmp0, $4  }
0x7: {  	s11 =	simm.s32 $0x0;
	p0 =	por $0x0, $0x0;
	s6 =	sor.u32 s1, s5  }
0x8: {  	[sflag:s4] =	ssyncpa.u1 $0x0;
	s5 =	simm.s32 $0x2;
	s6 =	sshll.u32 s6, $0x7  }
0x9: {  	s7 =	sadd.s32 $0x400, s7;
	[sflag:s5] =	ssyncpa.u1 $0x0;
	s8 =	sadd.s32 $0x80, s6  }
0xa: {  	vm0 =	vmmov $0xff;
	vm1 =	vcmask $0x3F20;
	[sflag:s9] =	ssyncpa.u1 $0x0;
	s10 =	smov.u32 s6;
	s9 =	simm.s32 $0x0  }
.LBB2_9:
0xb: {  	p1 =	slt.u32 s9, $0x2;
	s11 =	sadd.s32 $0x40, s10  }
0xc: {  	s13 =	smov.u32 s6;
	s9 =	sadd.s32 $0x1, s9;
	p2 =	slt.s32 s11, s8  }
0xd: {  	s13 =	smov.u32 @p2 s11;
	p2 =	sne.s32 s9, $0x4  }
.Ltmp1:
0xe: {  	_ = 	snop;
	(pc) =	sbr.rel @!p2 .LBB2_10-.Ltmp1, $4  }
0xf: {  	s12 =	simm.s32 @!p1 $0x3  }
0x10: {  	_ =	swait.ge @!p1 [sflag:s12], $0xC000  }
0x11: {  	p0 =	por !p0, !p0;
	[sflag:s12] =	ssyncset.done @!p1 $0x0  }
0x12: {  	s11 =	smov.u32 s10;
	s10 =	smov.u32 s13;
	[sflag:s12] =	ssyncadd.s32 @!p1 $0xFFFF4000  }
.LBB2_1:
0x13: {  	p1 =	sgt.u32 s9, $0x1  }
0x14: {  	s12 =	sshll.u32 @!p1 s9, $0x6;
	s13 =	sshrl.u32 @!p1 s10, $0x3  }
0x15: {  	s14 =	sand.u32 @!p1 $0x7, s10;
	s12 =	sxor.u32 @!p1 $0x40, s12;
	s13 =	sadd.s32 @!p1 s3, s13  }
0x16: {  	[tilespmem:s12], [sflag:$0x2] =	stream.linear.gather @!p1 [hbm4b:s13+s14], $0x40, $0x38;
	[tilespmem:$0x18080] =	vst v63  }
0x17: {  	p1 =	seq.s32 s9, $0x0  }
0x18: {  	p2 =	seq.s32 @!p1 s9, $0x3  }
0x19: {  	p1 =	por p1, p2  }
.Ltmp2:
0x1a: {  	_ = 	snop;
	(pc) =	sbr.rel @p1 .LBB2_9-.Ltmp2, $1  }
0x1b: {  	_ =	sdelay $0x3  }
0x1c: {  	s12 =	simm.s32 $0x1  }
0x1d: {  	s12 =	simm.s32 @!p0 $0x0  }
0x1e: {  	s12 =	smul.u32 $0x30000, s12;
	_ =	sdelay $0x1  }
0x1f: {  	_ =	swait.ge [sflag:s5], $0x40;
	s13 =	sand.u32 $0x1, s9;
	s12 =	sshrl.u32 s12, $0x2  }
0x20: {  	s14 =	simm.s32 $0x0;
	[sflag:s5] =	ssyncset.done $0x0;
	s12 =	sor.u32 $0x80, s12  }
0x21: {  	s13 =	sshll.u32 s13, $0x6;
	[sflag:s5] =	ssyncadd.s32 $0xFFFFFFC0;
	s15 =	smov.u32 s12  }
.LBB2_3:
0x22: {  	s16 =	sshll.u32 s14, $0x4  }
0x23: {  	s16 =	sand.u32 $0x3FFFFFF0, s16  }
0x24: {  	s16 =	sadd.s32 s16, s13  }
0x25: {  	v0 =	vld.msk [tilespmem:s16+$0x0 ss:$0x1], $0xffff;
	_ =	sdelay $0x4  }
0x26: {  	vm2 =	vgt.s32 v0, $0x0  }
0x27: {  	v0 =	vnsel vm2, $0x0, v0  }
0x28: {  	v0 =	vmin.u32 v0, $0xFFF  }
0x29: {  	v1 =	vshrl.u32 v0, $0x3  }
0x2a: {  	v0 =	vshll.u32 v0, $0x7;
	v1 =	vmul.u32 $0x1800, v1  }
0x2b: {  	v0 =	vand.u32 $0x380, v0  }
0x2c: {  	v0 =	vor.u32 v0, v1  }
0x2d: {  	v0 =	vshrl.u32 v0, $0x3;
	_ =	sdelay $0x3  }
0x2e: {  	s17 =	sadd.s32 $0x0, s15  }
0x2f: {  	[tilespmem:s17], [sflag:$0x1] =	stream.indirect_vreg.gather [hbm:s2], $0x80, v0, vm0, $0x38;
	[tilespmem:$0x18080] =	vst v63  }
0x30: {  	s16 =	simm.s32 $0x1000;
	v1 =	vadd.s32 $0x80, v0;
	s17 =	sadd.s32 $0x1800, s17  }
.LBB2_4:
0x31: {  	[tilespmem:s17], [sflag:$0x1] =	stream.indirect_vreg.gather [hbm:s2], $0x80, v0, vm1, $0x38;
	[tilespmem:$0x18080] =	vst v63  }
0x32: {  	v0 =	vmov v1;
	s17 =	smov.u32 s16;
	p1 =	sne.s32 s16, $0x5000  }
.Ltmp3:
0x33: {  	s16 =	sadd.s32 $0x1000, s16;
	(pc) =	sbr.rel @p1 .LBB2_4-.Ltmp3, $4  }
0x34: {  	s17 =	sshra.s32 s17, $0x2  }
0x35: {  	s17 =	sadd.s32 s17, s15  }
0x36: {  	[tilespmem:s17], [sflag:$0x1] =	stream.indirect_vreg.gather [hbm:s2], $0x80, v1, vm0, $0x38;
	[tilespmem:$0x18080] =	vst v63  }
0x37: {  	s17 =	sadd.s32 $0x1800, s17;
	v1 =	vadd.s32 $0x80, v1  }
0x38: {  	s14 =	sadd.s32 $0x1, s14  }
0x39: {  	p1 =	sne.s32 s14, $0x4  }
.Ltmp4:
0x3a: {  	_ = 	snop;
	(pc) =	sbr.rel @p1 .LBB2_3-.Ltmp4, $3  }
0x3b: {  	_ =	sdelay $0x1  }
0x3c: {  	[tilespmem:s17], [sflag:$0x1] =	stream.indirect_vreg.gather [hbm:s2], $0x80, v0, vm1, $0x38;
	[tilespmem:$0x18080] =	vst v63  }
0x3d: {  	s15 =	sadd.s32 $0x3000, s15  }
0x3e: {  	s13 =	sshrl.u32 s11, $0x3  }
0x3f: {  	s13 =	smul.u32 $0x300, s13  }
0x40: {  	s31 =	sshll.u32 s11, $0x4  }
0x41: {  	_ =	swait.ge [sflag:s4], $0xC000;
	s11 =	sand.u32 $0x70, s31;
	s13 =	sadd.s32 s13, s7  }
0x42: {  	s14 =	sadd.s32 $0x1800, s12;
	[sflag:s4] =	ssyncset.done $0x0;
	s11 =	sadd.s32 s11, s13  }
0x43: {  	[sflag:s4] =	ssyncadd.s32 $0xFFFF4000;
	s13 =	simm.s32 $0x300;
	s15 =	sadd.s32 $0x0, s11  }
.LBB2_7:
0x44: {  	[hbm:s15] =	stream.linear.scatter [tilespmem:s12], [sflag:$0x3], $0x1800, $0x38;
	[tilespmem:$0x18080] =	vst v63  }
0x45: {  	s15 =	smov.u32 s13;
	s12 =	smov.u32 s14;
	p1 =	sne.s32 s13, $0x1500  }
.Ltmp5:
0x46: {  	s13 =	sadd.s32 $0x300, s13;
	(pc) =	sbr.rel @p1 .LBB2_7-.Ltmp5, $2  }
0x47: {  	_ =	sdelay $0x2  }
0x48: {  	s14 =	sadd.s32 $0x1800, s14;
	s15 =	sadd.s32 s15, s11  }
.Ltmp6:
0x49: {  	(pc) =	sbr.rel .LBB2_9-.Ltmp6, $2  }
0x4a: {  	_ =	sdelay $0x2  }
0x4b: {  	[hbm:s15] =	stream.linear.scatter [tilespmem:s12], [sflag:$0x3], $0x1800, $0x38;
	[tilespmem:$0x18080] =	vst v63  }
.LBB2_10:
0x4c: {  	_ =	sfence.sel $0x180000  }
0x4d: {  	s2 =	simm.s32 $0x2;
	[bflag:$0x0] =	sbarrier.arrive $0xFFFF  }
0x4e: {  	s30 =	simm.s32 $0x3;
	[sflag:s2] =	ssyncpa.u1 $0x1  }
0x4f: {  	s31 =	simm.s32 $0x1;
	[sflag:s30] =	ssyncpa.u1 $0x1  }
0x50: {  	[sflag:s31] =	ssyncpa.u1 $0x1  }
0x51: {  	p0 =	sne.s32 s1, $0x0;
	_ =	strace $0x90000047  }
0x52: {  	s0 =	sadd.s32 @!p0 $0x100000, s0;
	[bflag:$0x2] =	sbarrier.arrive $0xFFFF  }
0x53: {  	[sflag:s0] =	ssyncadd.tile.s32 @!p0 $0x1;
	_ =	shalt  }
.Lfunc_end2:
_tile_overlayer_lowered:
.L_overlay_start_2:
0x54: {  	(tag) =	ssettag $0x2  }
0x55: {  	s0 =	rddreg [dreg:$0x0];
	s2 =	stileid.u32  }
0x56: {  	s1 =	rddreg [dreg:$0x1];
	p0 =	sne.s32 s2, $0x0  }
0x57: {  	s3 =	rddreg [dreg:$0x2];
	[bflag:$0x3] =	sbarrier.arrive $0xFFFF;
	s2 =	simm.s32 @!p0 $0x1C01  }
0x58: {  	[timem:s3], [sflag:s2] =	dma.local @!p0 [hbm:s0], s1  }
0x59: {  	s0 =	simm.s32 @!p0 $0x1  }
0x5a: {  	_ =	swait.ge @!p0 [sflag:s0], s1  }
0x5b: {  	s1 =	ssub.s32 @!p0 $0x0, s1;
	[sflag:s0] =	ssyncset.done @!p0 $0x0  }
0x5c: {  	[sflag:s0] =	ssyncadd.s32 @!p0 s1  }
0x5d: {  	[bflag:$0x3] =	sbarrier.arrive $0xFFFF  }
0x5e: {  	_ =	shalt  }

// kernel: gather_offload_async_start
scs
__scs_entry_jumppad:
0x0: {  	(pc) =	sbr.rel $0x88, $3  }
0x1: {  	(tag) =	ssettag $0x0;
	lr =	simm.s32 $0x1  }
0x2: {  	[smem:$0x3F9A] =	sst lr;
	_ =	strace $0xD0000000  }
0x3: {  	_ = 	snop  }
0x4: {  	_ = 	snop  }
0x5: {  	_ = 	snop  }
0x6: {  	_ = 	snop  }
0x7: {  	_ = 	snop  }
__scs_overlays_trampoline_lowered:
0x8: {  	[smem:$0x3FA9] =	sst s0  }
0x9: {  	[smem:$0x3FAA] =	sst s1  }
0xa: {  	[smem:$0x3FAB] =	sst s2  }
0xb: {  	[smem:$0x3FAC] =	sst s3  }
0xc: {  	[smem:$0x3FAD] =	sst s4  }
0xd: {  	[smem:$0x3FAE] =	sst s5  }
0xe: {  	[smem:$0x3FAF] =	sst s6  }
0xf: {  	[smem:$0x3FB0] =	sst s7  }
0x10: {  	[smem:$0x3FB1] =	sst s8  }
0x11: {  	[smem:$0x3FB2] =	sst s9;
	s0 =	simm.s32 @!p0 $0x0  }
0x12: {  	s1 =	sld [smem:$0x3F98];
	s0 =	simm.s32 @p0 $0x1  }
0x13: {  	[smem:$0x3FB3] =	sst s0;
	s0 =	simm.s32 @!p1 $0x0  }
0x14: {  	s2 =	sld [smem:$0x3F97];
	s0 =	simm.s32 @p1 $0x1  }
0x15: {  	[smem:$0x3FB4] =	sst s0;
	s0 =	simm.s32 @!p2 $0x0  }
0x16: {  	s3 =	sld [smem:$0x3FDB];
	s0 =	simm.s32 @p2 $0x1  }
0x17: {  	s4 =	simm.s32 $0x1BF5;
	[smem:$0x3FB6] =	sst s0  }
0x18: {  	s0 =	sld [smem:$0x3F99];
	_ =	swait.ge [sflag:s4], $0x0  }
0x19: {  	s7 =	sld [smem:$0x3F9A]  }
0x1a: {  	s8 =	sadd.s32 $0xFFFFE003, lr  }
0x1b: {  	s9 =	sadd.s32 $0xFFFFFEF7, lr;
	s5 =	simm.s32 $0xFFFFFFFF;
	p2 =	slt.u32 s8, $0xFFFFF086  }
0x1c: {  	p1 =	slt.u32 s9, $0xF7A;
	s5 =	simm.s32 @!p2 $0x0  }
0x1d: {  	s5 =	simm.s32 @p1 $0x1;
	p0 =	seq.s32 s7, s2  }
0x1e: {  	s7 =	smul.u32 @!p0 $0xF7A, s2;
	p2 =	seq.s32 @!p0 s5, $0x0  }
0x1f: {  	s9 =	smul.u32 $0xF7A, s1;
	s8 =	simm.s32 @!p0 $0x1BF5;
	p2 =	por !p2, p0  }
0x20: {  	[sflag:s8] =	ssyncset.s32 @!p0 $0xFFFFF086;
	s6 =	sadd.s32 @!p0 s3, s7;
	s7 =	simm.s32 @!p0 $0x108  }
0x21: {  	s3 =	sadd.s32 s3, s9;
	s6 =	sadd.s32 @!p0 $0x88, s6;
	s7 =	simm.s32 @p2 $0x1082  }
0x22: {  	[simem:s7], [sflag:s8] =	dma.local @!p0 [hbm:s6], $0xF7A  }
0x23: {  	s9 =	sor.u32 $0xD0000000, s2;
	s6 =	simm.s32 $0x108;
	_ =	swait.ge @!p0 [sflag:s8], $0x0  }
0x24: {  	s3 =	sadd.s32 $0x88, s3;
	s6 =	simm.s32 @!p1 $0x1082;
	[sflag:s4] =	ssyncset.s32 $0xFFFFF086  }
0x25: {  	[simem:s6], [sflag:s4] =	dma.local [hbm:s3], $0xF7A  }
0x26: {  	[smem:$0x3F9A] =	sst s1;
	(tag) =	ssettag s2;
	_ =	strace s9  }
0x27: {  	s1 =	sld [smem:$0x3FAA]  }
0x28: {  	s2 =	sld [smem:$0x3FAB]  }
0x29: {  	s4 =	sld [smem:$0x3FAD]  }
0x2a: {  	p0 =	seq.s32 s5, $0x0;
	s5 =	sld [smem:$0x3FAE]  }
0x2b: {  	s6 =	sld [smem:$0x3FAF]  }
0x2c: {  	s7 =	sld [smem:$0x3FB0]  }
0x2d: {  	s3 =	simm.s32 $0x108;
	s8 =	sld [smem:$0x3FB1]  }
0x2e: {  	s3 =	simm.s32 @!p0 $0x1082;
	s9 =	sld [smem:$0x3FB2]  }
0x2f: {  	lr =	sadd.s32 s0, s3;
	s0 =	sld [smem:$0x3FA9]  }
0x30: {  	s3 =	sld [smem:$0x3FAC]  }
0x31: {  	[smem:$0x3FB5] =	sst s10  }
0x32: {  	s10 =	sld [smem:$0x3FB3];
	_ =	sdelay $0x3  }
0x33: {  	p0 =	seq.s32 s10, $0x1;
	s10 =	sld [smem:$0x3FB5];
	_ =	sdelay $0x3  }
0x34: {  	[smem:$0x3FB5] =	sst s10  }
0x35: {  	s10 =	sld [smem:$0x3FB4];
	_ =	sdelay $0x3  }
0x36: {  	p1 =	seq.s32 s10, $0x1;
	s10 =	sld [smem:$0x3FB5];
	_ =	sdelay $0x3  }
0x37: {  	[smem:$0x3FB5] =	sst s10  }
0x38: {  	s10 =	sld [smem:$0x3FB6]  }
0x39: {  	_ = 	snop;
	(pc) =	sbr.ind lr, $3  }
0x3a: {  	_ = 	snop  }
0x3b: {  	_ = 	snop  }
0x3c: {  	p2 =	seq.s32 s10, $0x1;
	s10 =	sld [smem:$0x3FB5]  }
0x3d: {  	_ =	shalt  }
0x3e: {  	_ =	shalt  }
0x3f: {  	_ =	shalt  }
0x40: {  	_ =	shalt  }
0x41: {  	_ =	shalt  }
0x42: {  	_ =	shalt  }
0x43: {  	_ =	shalt  }
0x44: {  	_ =	shalt  }
0x45: {  	_ =	shalt  }
0x46: {  	_ =	shalt  }
0x47: {  	_ =	shalt  }
0x48: {  	_ =	shalt  }
0x49: {  	_ =	shalt  }
0x4a: {  	_ =	shalt  }
0x4b: {  	_ =	shalt  }
0x4c: {  	_ =	shalt  }
0x4d: {  	_ =	shalt  }
0x4e: {  	_ =	shalt  }
0x4f: {  	_ =	shalt  }
0x50: {  	_ =	shalt  }
0x51: {  	_ =	shalt  }
0x52: {  	_ =	shalt  }
0x53: {  	_ =	shalt  }
0x54: {  	_ =	shalt  }
0x55: {  	_ =	shalt  }
0x56: {  	_ =	shalt  }
0x57: {  	_ =	shalt  }
0x58: {  	_ =	shalt  }
0x59: {  	_ =	shalt  }
0x5a: {  	_ =	shalt  }
0x5b: {  	_ =	shalt  }
0x5c: {  	_ =	shalt  }
0x5d: {  	_ =	shalt  }
0x5e: {  	_ =	shalt  }
0x5f: {  	_ =	shalt  }
0x60: {  	_ =	shalt  }
0x61: {  	_ =	shalt  }
0x62: {  	_ =	shalt  }
0x63: {  	_ =	shalt  }
0x64: {  	_ =	shalt  }
0x65: {  	_ =	shalt  }
0x66: {  	_ =	shalt  }
0x67: {  	_ =	shalt  }
0x68: {  	_ =	shalt  }
0x69: {  	_ =	shalt  }
0x6a: {  	_ =	shalt  }
0x6b: {  	_ =	shalt  }
0x6c: {  	_ =	shalt  }
0x6d: {  	_ =	shalt  }
0x6e: {  	_ =	shalt  }
0x6f: {  	_ =	shalt  }
0x70: {  	_ =	shalt  }
0x71: {  	_ =	shalt  }
0x72: {  	_ =	shalt  }
0x73: {  	_ =	shalt  }
0x74: {  	_ =	shalt  }
0x75: {  	_ =	shalt  }
0x76: {  	_ =	shalt  }
0x77: {  	_ =	shalt  }
0x78: {  	_ =	shalt  }
0x79: {  	_ =	shalt  }
0x7a: {  	_ =	shalt  }
0x7b: {  	_ =	shalt  }
0x7c: {  	_ =	shalt  }
0x7d: {  	_ =	shalt  }
0x7e: {  	_ =	shalt  }
0x7f: {  	_ =	shalt  }
0x80: {  	_ =	shalt  }
0x81: {  	_ =	shalt  }
0x82: {  	_ =	shalt  }
0x83: {  	_ =	shalt  }
0x84: {  	_ =	shalt  }
0x85: {  	_ =	shalt  }
0x86: {  	_ =	shalt  }
0x87: {  	_ =	shalt  }
.Lfunc_end0:
.L_simem_size_0:
called_computation_lowered:
.L_overlay_start_0:
0x88: {  	s2 =	sld [smem:$0x3FD9]  }
0x89: {  	s3 =	sld [smem:$0x3FFE];
	_ =	sdelay $0x1  }
0x8a: {  	s1 =	srdreg.scid  }
0x8b: {  	s0 =	sand.u32 $0x1, s1  }
0x8c: {  	s17 =	sshll.u32 s0, $0xA;
	s2 =	sadd.s32 s3, s2  }
0x8d: {  	s2 =	sadd.s32 s2, s17  }
0x8e: {  	[smem:$0x3FC1] =	sst s2  }
0x8f: {  	_ = 	snop  }
0x90: {  	s18 =	sld [smem:$0x3FC9]  }
0x91: {  	s4 =	sld [smem:$0x3FD0];
	(tm) =	ssettm $0x1  }
0x92: {  	s19 =	sld [smem:$0x3FFB];
	_ =	sdelay $0x3  }
0x93: {  	_ =	strace s19  }
0x94: {  	s2 =	sld [smem:$0x3FFC];
	_ =	sdelay $0x3  }
0x95: {  	_ =	strace s2  }
0x96: {  	s2 =	sld [smem:$0x3FFD];
	_ =	sdelay $0x3  }
0x97: {  	_ =	strace s2  }
0x98: {  	_ =	strace $0x8FFFFFFF  }
0x99: {  	s20 =	sld [smem:$0x3FDB];
	_ =	sdelay $0x1  }
0x9a: {  	s5 =	simm.s32 $_scs_section_size  }
0x9b: {  	s6 =	simm.s32 $_size__tile_overlayer_lowered;
	s7 =	simm.s32 $_tile_overlayer_lowered  }
0x9c: {  	s8 =	simm.s32 $0x1BFF;
	s21 =	sshll.u32 s7, $0x1;
	s5 =	sadd.s32 s5, s20  }
0x9d: {  	s22 =	simm.s32 $0x0;
	s6 =	sshll.u32 s6, $0x1;
	s7 =	sadd.s32 s21, s5  }
0x9e: {  	[timem:s22], [sflag:s8] =	dma.local [hbm:s7], s6  }
0x9f: {  	_ =	swait.ge [sflag:s8], s6  }
0xa0: {  	s6 =	ssub.s32 $0x0, s6;
	[sflag:s8] =	ssyncset.done $0x0  }
0xa1: {  	[sflag:s8] =	ssyncadd.s32 s6;
	_ =	sdelay $0x1  }
0xa2: {  	s23 =	simm.s32 $0x1B8B  }
0xa3: {  	_ =	swait.ge [sflag:s23], $0x1  }
0xa4: {  	[sflag:s23] =	ssyncset.done $0x0  }
0xa5: {  	[sflag:s23] =	ssyncadd.s32 $0xFFFFFFFF  }
0xa6: {  	s6 =	sld [smem:$0x0]  }
0xa7: {  	s7 =	sand.u32 $0xFFFFFFFE, s1  }
0xa8: {  	p0 =	sne.s32 s1, s7  }
0xa9: {  	s7 =	sshll.u32 @p0 s7, $0xE  }
0xaa: {  	s7 =	sadd.s32 @p0 $0x11B8D, s7;
	s8 =	sshll.u32 @p0 s6, $0x11  }
0xab: {  	s7 =	sor.u32 @p0 s8, s7  }
0xac: {  	[sflag:s7] =	ssyncadd.remote.s32 @p0 $0x1;
	_ =	sdelay $0x1  }
0xad: {  	s7 =	simm.s32 @p0 $0x1B8D  }
0xae: {  	_ =	swait.eq @p0 [sflag:s7], $0x1  }
0xaf: {  	[sflag:s7] =	ssyncadd.s32 @p0 $0xFFFFFFFF  }
0xb0: {  	s8 =	sshll.u32 @!p0 s1, $0xE  }
0xb1: {  	s8 =	sor.u32 @!p0 $0x4000, s8;
	s7 =	simm.s32 @!p0 $0x1B8D  }
0xb2: {  	s6 =	sshll.u32 @!p0 s6, $0x11;
	s8 =	sadd.s32 @!p0 $0x11B8D, s8;
	_ =	swait.eq @!p0 [sflag:s7], $0x1  }
0xb3: {  	s6 =	sor.u32 @!p0 s6, s8;
	[sflag:s7] =	ssyncadd.s32 @!p0 $0xFFFFFFFF  }
0xb4: {  	s25 =	simm.s32 $0x1B8E;
	s24 =	sld [smem:$0x3FFE];
	[sflag:s6] =	ssyncadd.remote.s32 @!p0 $0x1  }
0xb5: {  	s26 =	simm.s32 $execute0_lowered;
	[smem:$0x3FD2] =	sst s25  }
0xb6: {  	s7 =	sshll.u32 s26, $0x1;
	_ =	strace $0x80000049;
	[dreg:$0x1] =	wrdreg $0xFFFFFFFF  }
0xb7: {  	s28 =	simm.s32 $_size_execute0_lowered;
	s5 =	sadd.s32 s5, s7;
	[dreg:$0x0] =	wrdreg $0x0  }
0xb8: {  	s7 =	sshll.u32 s28, $0x1;
	[dreg:$0x2] =	wrdreg s5  }
0xb9: {  	[dreg:$0x3] =	wrdreg s7  }
0xba: {  	[dreg:$0x4] =	wrdreg $0xC0  }
0xbb: {  	_ =	task [dreg:s22], $0x5FFFF  }
0xbc: {  	[dreg:$0x1] =	wrdreg $0xFFFFFFFF  }
0xbd: {  	[dreg:$0x0] =	wrdreg $0x60  }
0xbe: {  	[dreg:$0x2] =	wrdreg s18  }
0xbf: {  	[dreg:$0x3] =	wrdreg s4  }
0xc0: {  	[dreg:$0x4] =	wrdreg s24  }
0xc1: {  	[dreg:$0x5] =	wrdreg $0x9  }
0xc2: {  	_ =	task.clear_ibuf [dreg:s22], $0x6FFFF;
	_ =	strace $0x90000049  }
0xc3: {  	s29 =	simm.s32 $0x9;
	_ =	strace $0x8000004B  }
0xc4: {  	_ =	swait.ge [sflag:s29], $0x1  }
0xc5: {  	[sflag:s29] =	ssyncadd.s32 $0xFFFFFFFF  }
0xc6: {  	_ =	strace $0x9000004B  }
0xc7: {  	_ =	sfence  }
0xc8: {  	s30 =	sld [smem:$0x0];
	_ =	sdelay $0x2  }
0xc9: {  	s31 =	sshll.u32 s1, $0xD;
	s1 =	sshrl.u32 s1, $0x2  }
0xca: {  	s4 =	sand.u32 $0x4000, s31;
	s1 =	sadd.s32 s1, s30  }
0xcb: {  	s0 =	sor.u32 s4, s0;
	s1 =	sshll.u32 s1, $0x11  }
0xcc: {  	s0 =	sor.u32 s1, s0  }
0xcd: {  	s0 =	sadd.s32 $0x8F2B, s0  }
0xce: {  	[sflag:s0] =	ssyncadd.remote.s32 $0x1  }
0xcf: {  	_ =	sfence.sel $0xFFFF  }
0xd0: {  	[dreg:$0x0] =	wrdreg $0xFFFFFFFF;
	(pc) =	sbr.abs _section_cstart, $3  }
0xd1: {  	[dreg:$0x1] =	wrdreg $0xFFFFFFFF  }
0xd2: {  	_ =	task.clear_ibuf [dreg:s22], $0x2FFFF;
	_ =	strace $0x9FFFFFFF  }
0xd3: {  	(tm) =	ssettm $0x7FFFFFFF  }
tec
execute0_lowered:
.L_overlay_start_1:
0x0: {  	(tag) =	ssettag $0x1  }
0x1: {  	s2 =	rddreg [dreg:$0x0]  }
0x2: {  	s3 =	rddreg [dreg:$0x1]  }
0x3: {  	s7 =	rddreg [dreg:$0x2]  }
0x4: {  	s0 =	rddreg [dreg:$0x3];
	s1 =	srdreg.scid;
	_ =	strace $0x8000004A  }
0x5: {  	s4 =	simm.s32 $0x1;
	s9 =	simm.s32 $0x3;
	s5 =	sshll.u32 s1, $0x4  }
.Ltmp0:
0x6: {  	s1 =	stileid.u32;
	s5 =	sand.u32 $0x10, s5;
	(pc) =	sbr.rel .LBB2_1-.Ltmp0, $4  }
0x7: {  	s11 =	simm.s32 $0x0;
	p0 =	por $0x0, $0x0;
	s6 =	sor.u32 s1, s5  }
0x8: {  	[sflag:s4] =	ssyncpa.u1 $0x0;
	s5 =	simm.s32 $0x2;
	s6 =	sshll.u32 s6, $0x7  }
0x9: {  	s7 =	sadd.s32 $0x60400, s7;
	[sflag:s5] =	ssyncpa.u1 $0x0;
	s8 =	sadd.s32 $0x80, s6  }
0xa: {  	vm0 =	vmmov $0xff;
	vm1 =	vcmask $0x3F20;
	[sflag:s9] =	ssyncpa.u1 $0x0;
	s10 =	smov.u32 s6;
	s9 =	simm.s32 $0x0  }
.LBB2_9:
0xb: {  	p1 =	slt.u32 s9, $0x2;
	s11 =	sadd.s32 $0x40, s10  }
0xc: {  	s13 =	smov.u32 s6;
	s9 =	sadd.s32 $0x1, s9;
	p2 =	slt.s32 s11, s8  }
0xd: {  	s13 =	smov.u32 @p2 s11;
	p2 =	sne.s32 s9, $0x4  }
.Ltmp1:
0xe: {  	_ = 	snop;
	(pc) =	sbr.rel @!p2 .LBB2_10-.Ltmp1, $4  }
0xf: {  	s12 =	simm.s32 @!p1 $0x3  }
0x10: {  	_ =	swait.ge @!p1 [sflag:s12], $0xC000  }
0x11: {  	p0 =	por !p0, !p0;
	[sflag:s12] =	ssyncset.done @!p1 $0x0  }
0x12: {  	s11 =	smov.u32 s10;
	s10 =	smov.u32 s13;
	[sflag:s12] =	ssyncadd.s32 @!p1 $0xFFFF4000  }
.LBB2_1:
0x13: {  	p1 =	sgt.u32 s9, $0x1  }
0x14: {  	s12 =	sshll.u32 @!p1 s9, $0x6;
	s13 =	sshrl.u32 @!p1 s10, $0x3  }
0x15: {  	s14 =	sand.u32 @!p1 $0x7, s10;
	s12 =	sxor.u32 @!p1 $0x40, s12;
	s13 =	sadd.s32 @!p1 s3, s13  }
0x16: {  	[tilespmem:s12], [sflag:$0x2] =	stream.linear.gather @!p1 [hbm4b:s13+s14], $0x40, $0x38;
	[tilespmem:$0x18080] =	vst v63  }
0x17: {  	p1 =	seq.s32 s9, $0x0  }
0x18: {  	p2 =	seq.s32 @!p1 s9, $0x3  }
0x19: {  	p1 =	por p1, p2  }
.Ltmp2:
0x1a: {  	_ = 	snop;
	(pc) =	sbr.rel @p1 .LBB2_9-.Ltmp2, $1  }
0x1b: {  	_ =	sdelay $0x3  }
0x1c: {  	s12 =	simm.s32 $0x1  }
0x1d: {  	s12 =	simm.s32 @!p0 $0x0  }
0x1e: {  	s12 =	smul.u32 $0x30000, s12;
	_ =	sdelay $0x1  }
0x1f: {  	_ =	swait.ge [sflag:s5], $0x40;
	s13 =	sand.u32 $0x1, s9;
	s12 =	sshrl.u32 s12, $0x2  }
0x20: {  	s14 =	simm.s32 $0x0;
	[sflag:s5] =	ssyncset.done $0x0;
	s12 =	sor.u32 $0x80, s12  }
0x21: {  	s13 =	sshll.u32 s13, $0x6;
	[sflag:s5] =	ssyncadd.s32 $0xFFFFFFC0;
	s15 =	smov.u32 s12  }
.LBB2_3:
0x22: {  	s16 =	sshll.u32 s14, $0x4  }
0x23: {  	s16 =	sand.u32 $0x3FFFFFF0, s16  }
0x24: {  	s16 =	sadd.s32 s16, s13  }
0x25: {  	v0 =	vld.msk [tilespmem:s16+$0x0 ss:$0x1], $0xffff;
	_ =	sdelay $0x4  }
0x26: {  	vm2 =	vgt.s32 v0, $0x0  }
0x27: {  	v0 =	vnsel vm2, $0x0, v0  }
0x28: {  	v0 =	vmin.u32 v0, $0xFFF  }
0x29: {  	v1 =	vshrl.u32 v0, $0x3  }
0x2a: {  	v0 =	vshll.u32 v0, $0x7;
	v1 =	vmul.u32 $0x1800, v1  }
0x2b: {  	v0 =	vand.u32 $0x380, v0  }
0x2c: {  	v0 =	vor.u32 v0, v1  }
0x2d: {  	v0 =	vshrl.u32 v0, $0x3;
	_ =	sdelay $0x3  }
0x2e: {  	s17 =	sadd.s32 $0x0, s15  }
0x2f: {  	[tilespmem:s17], [sflag:$0x1] =	stream.indirect_vreg.gather [hbm:s2], $0x80, v0, vm0, $0x38;
	[tilespmem:$0x18080] =	vst v63  }
0x30: {  	s16 =	simm.s32 $0x1000;
	v1 =	vadd.s32 $0x80, v0;
	s17 =	sadd.s32 $0x1800, s17  }
.LBB2_4:
0x31: {  	[tilespmem:s17], [sflag:$0x1] =	stream.indirect_vreg.gather [hbm:s2], $0x80, v0, vm1, $0x38;
	[tilespmem:$0x18080] =	vst v63  }
0x32: {  	v0 =	vmov v1;
	s17 =	smov.u32 s16;
	p1 =	sne.s32 s16, $0x5000  }
.Ltmp3:
0x33: {  	s16 =	sadd.s32 $0x1000, s16;
	(pc) =	sbr.rel @p1 .LBB2_4-.Ltmp3, $4  }
0x34: {  	s17 =	sshra.s32 s17, $0x2  }
0x35: {  	s17 =	sadd.s32 s17, s15  }
0x36: {  	[tilespmem:s17], [sflag:$0x1] =	stream.indirect_vreg.gather [hbm:s2], $0x80, v1, vm0, $0x38;
	[tilespmem:$0x18080] =	vst v63  }
0x37: {  	s17 =	sadd.s32 $0x1800, s17;
	v1 =	vadd.s32 $0x80, v1  }
0x38: {  	s14 =	sadd.s32 $0x1, s14  }
0x39: {  	p1 =	sne.s32 s14, $0x4  }
.Ltmp4:
0x3a: {  	_ = 	snop;
	(pc) =	sbr.rel @p1 .LBB2_3-.Ltmp4, $3  }
0x3b: {  	_ =	sdelay $0x1  }
0x3c: {  	[tilespmem:s17], [sflag:$0x1] =	stream.indirect_vreg.gather [hbm:s2], $0x80, v0, vm1, $0x38;
	[tilespmem:$0x18080] =	vst v63  }
0x3d: {  	s15 =	sadd.s32 $0x3000, s15  }
0x3e: {  	s13 =	sshrl.u32 s11, $0x3  }
0x3f: {  	s13 =	smul.u32 $0x300, s13  }
0x40: {  	s31 =	sshll.u32 s11, $0x4  }
0x41: {  	_ =	swait.ge [sflag:s4], $0xC000;
	s11 =	sand.u32 $0x70, s31;
	s13 =	sadd.s32 s13, s7  }
0x42: {  	s14 =	sadd.s32 $0x1800, s12;
	[sflag:s4] =	ssyncset.done $0x0;
	s11 =	sadd.s32 s11, s13  }
0x43: {  	[sflag:s4] =	ssyncadd.s32 $0xFFFF4000;
	s13 =	simm.s32 $0x300;
	s15 =	sadd.s32 $0x0, s11  }
.LBB2_7:
0x44: {  	[hbm:s15] =	stream.linear.scatter [tilespmem:s12], [sflag:$0x3], $0x1800, $0x38;
	[tilespmem:$0x18080] =	vst v63  }
0x45: {  	s15 =	smov.u32 s13;
	s12 =	smov.u32 s14;
	p1 =	sne.s32 s13, $0x1500  }
.Ltmp5:
0x46: {  	s13 =	sadd.s32 $0x300, s13;
	(pc) =	sbr.rel @p1 .LBB2_7-.Ltmp5, $2  }
0x47: {  	_ =	sdelay $0x2  }
0x48: {  	s14 =	sadd.s32 $0x1800, s14;
	s15 =	sadd.s32 s15, s11  }
.Ltmp6:
0x49: {  	(pc) =	sbr.rel .LBB2_9-.Ltmp6, $2  }
0x4a: {  	_ =	sdelay $0x2  }
0x4b: {  	[hbm:s15] =	stream.linear.scatter [tilespmem:s12], [sflag:$0x3], $0x1800, $0x38;
	[tilespmem:$0x18080] =	vst v63  }
.LBB2_10:
0x4c: {  	_ =	sfence.sel $0x180000  }
0x4d: {  	s2 =	simm.s32 $0x2;
	[bflag:$0x0] =	sbarrier.arrive $0xFFFF  }
0x4e: {  	s30 =	simm.s32 $0x3;
	[sflag:s2] =	ssyncpa.u1 $0x1  }
0x4f: {  	s31 =	simm.s32 $0x1;
	[sflag:s30] =	ssyncpa.u1 $0x1  }
0x50: {  	[sflag:s31] =	ssyncpa.u1 $0x1  }
0x51: {  	p0 =	sne.s32 s1, $0x0;
	_ =	strace $0x9000004A  }
0x52: {  	s0 =	sadd.s32 @!p0 $0x100000, s0;
	[bflag:$0x2] =	sbarrier.arrive $0xFFFF  }
0x53: {  	[sflag:s0] =	ssyncadd.tile.s32 @!p0 $0x1;
	_ =	shalt  }
.Lfunc_end2:
_tile_overlayer_lowered:
.L_overlay_start_2:
0x54: {  	(tag) =	ssettag $0x2  }
0x55: {  	s0 =	rddreg [dreg:$0x0];
	s2 =	stileid.u32  }
0x56: {  	s1 =	rddreg [dreg:$0x1];
	p0 =	sne.s32 s2, $0x0  }
0x57: {  	s3 =	rddreg [dreg:$0x2];
	[bflag:$0x3] =	sbarrier.arrive $0xFFFF;
	s2 =	simm.s32 @!p0 $0x1C01  }
0x58: {  	[timem:s3], [sflag:s2] =	dma.local @!p0 [hbm:s0], s1  }
0x59: {  	s0 =	simm.s32 @!p0 $0x1  }
0x5a: {  	_ =	swait.ge @!p0 [sflag:s0], s1  }
0x5b: {  	s1 =	ssub.s32 @!p0 $0x0, s1;
	[sflag:s0] =	ssyncset.done @!p0 $0x0  }
0x5c: {  	[sflag:s0] =	ssyncadd.s32 @!p0 s1  }
0x5d: {  	[bflag:$0x3] =	sbarrier.arrive $0xFFFF  }
0x5e: {  	_ =	shalt  }

</sc_bundles>
